<compile_context>
chip_gen: v7x
topology: tpu7x:2x2x1
jax: 0.10.2.dev20260603
libtpu: 0.0.44.dev20260713+nightly
codegen_flags: <defaults>
</compile_context>

<pallas_src>
import functools

import jax
import jax.numpy as jnp
from jax import lax
from jax.experimental import pallas as pl
from jax.experimental.pallas import tpu as pltpu
from jax.experimental.pallas import tpu_sc as plsc

B = 16
Q = 256
T = 16384
TH = T // 2
CHUNK = 64
NCHUNK = TH // CHUNK
ZBLK = 1 << 20


def _zero_body(out_ref):
    out_ref[...] = jnp.zeros((ZBLK,), jnp.float32)


def _tc_zeros():
    return pl.pallas_call(
        _zero_body,
        grid=(B * Q * T // ZBLK,),
        out_specs=pl.BlockSpec((ZBLK,), lambda i: (i,)),
        out_shape=jax.ShapeDtypeStruct((B * Q * T,), jnp.float32),
    )()


def _sc_scatter_body(idx_hbm, out_ref, idx_v, idxs_v, ones_v, sem_s):
    b = lax.axis_index("s")
    half = lax.axis_index("c")
    t0 = half * TH
    base = b * (Q * T)

    pltpu.sync_copy(idx_hbm.at[b, pl.ds(t0, TH)], idx_v)

    def oinit(u, _):
        ones_v[pl.ds(u * 16, 16)] = jnp.full((16,), 1.0, jnp.float32)
        return 0

    lax.fori_loop(0, CHUNK // 16, oinit, 0)

    lane = lax.iota(jnp.int32, 16)

    def cchunk(j, _):
        def cvec(u, _):
            toff = t0 + j * CHUNK + u * 16
            tpart = base + ((toff >> 7) << 10) + (toff & 127)
            v = idx_v[pl.ds(j * CHUNK + u * 16, 16)]
            qpart = ((v >> 3) << 17) + ((v & 7) << 7)
            idxs_v[j, pl.ds(u * 16, 16)] = qpart + tpart + lane
            return 0

        lax.fori_loop(0, CHUNK // 16, cvec, 0)
        pltpu.make_async_copy(ones_v, out_ref.at[idxs_v.at[j]], sem_s).start()
        return 0

    lax.fori_loop(0, NCHUNK, cchunk, 0)

    def sdrain(j, _):
        pltpu.make_async_copy(ones_v, out_ref.at[idxs_v.at[0]], sem_s).wait()
        return 0

    lax.fori_loop(0, NCHUNK, sdrain, 0)


_sc_scatter = functools.partial(
    pl.kernel,
    mesh=plsc.VectorSubcoreMesh(core_axis_name="c", subcore_axis_name="s"),
    scratch_types=[
        pltpu.VMEM((TH,), jnp.int32),
        pltpu.VMEM((NCHUNK, CHUNK), jnp.int32),
        pltpu.VMEM((CHUNK,), jnp.float32),
        pltpu.SemaphoreType.DMA,
    ],
)(_sc_scatter_body)


def kernel(in_snd_slice, quant_onehot):
    del quant_onehot
    idx = in_snd_slice.astype(jnp.int32)
    out_ref = jax.new_ref(_tc_zeros())
    _sc_scatter(idx, out_ref)
    flat = jax.freeze(out_ref)
    return (
        flat.reshape(B, 32, 128, 8, 128)
        .transpose(0, 1, 3, 2, 4)
        .reshape(B, Q, T)
    )

# --- scband reference (transcript-rebuilt; emitter-appended) ---
"""Pipeline reference for scband-pre-process-56229711839655 (READ-ONLY COPY).

The authoritative reference and input builder live on the scoring server;
editing this copy changes nothing except your own understanding.
"""

import jax, jax.numpy as jnp
import numpy as np

N_QUANT = 256

def setup_inputs(seed: int = 0) -> dict:
    key = jax.random.key(seed)
    in_snd_slice = jax.random.randint(key, (16, 16384), 0, N_QUANT, dtype=jnp.int64 if jax.config.jax_enable_x64 else jnp.int32)
    quant_onehot = jnp.eye(N_QUANT, dtype=jnp.float32)
    return {"in_snd_slice": in_snd_slice, "quant_onehot": quant_onehot}

def reference(in_snd_slice, quant_onehot):
    # one_hot: gather rows of the identity matrix by the quantized sample ids.
    # quant_onehot: (Q, Q); in_snd_slice: (B, T)
    # gathered: (B, T, Q); permute to (B, Q, T) to match the torch module's output.
    idx = in_snd_slice.astype(jnp.int32)
    gathered = jnp.take(quant_onehot, idx, axis=0)  # (B, T, Q)
    wav_one_hot = jnp.transpose(gathered, (0, 2, 1))  # (B, Q, T)
    return wav_one_hot

if __name__ == "__main__":
    import jax
    _d = setup_inputs()
    print(jax.jit(kernel)(*tuple(_d.values())))

</pallas_src>

<mosaic_0001>
#map = affine_map<(d0, d1) -> (0, 0)>
#map1 = affine_map<(d0, d1) -> (0)>
module attributes {stable_mosaic.version = 14 : i64} {
  func.func @new_body(%arg0: i32, %arg1: i32, %arg2: memref<16x16384xi32, #tpu.memory_space<hbm>>, %arg3: memref<67108864xf32, #tpu.memory_space<hbm>>, %arg4: memref<67108864xf32, #tpu.memory_space<hbm>>, %arg5: memref<8192xi32, #tpu.memory_space<vmem>>, %arg6: memref<128x64xi32, #tpu.memory_space<vmem>>, %arg7: memref<64xf32, #tpu.memory_space<vmem>>, %arg8: memref<!tpu.dma_semaphore, #tpu.memory_space<semaphore_mem>>) attributes {dimension_semantics = [#tpu.dimension_semantics<core_parallel>, #tpu.dimension_semantics<subcore_parallel>], iteration_bounds = array<i64: 2, 16>, scalar_prefetch = 0 : i64, scratch_operands = 4 : i64, tpu.core_type = #tpu.core_type<sc_vector_subcore>, window_params = [{transform_indices = #map}, {transform_indices = #map1}, {transform_indices = #map1}]} {
    %mul3A = arith.constant 8192 : i32
    %mul3A_0 = arith.muli %arg0, %mul3A : i32
    %mul3A_1 = arith.constant 4194304 : i32
    %mul3A_2 = arith.muli %arg1, %mul3A_1 : i32
    "tpu.region"() ({
      %run_scoped3A = tpu.sem_alloc : memref<!tpu.dma_semaphore, #tpu.memory_space<semaphore_mem>>
      %dma_start3A = tpu.memref_slice %arg2[%arg1, %mul3A_0] : memref<16x16384xi32, #tpu.memory_space<hbm>> -> memref<1x8192xi32, #tpu.memory_space<hbm>>
      %dma_start3A_23 = tpu.memref_squeeze %dma_start3A : memref<1x8192xi32, #tpu.memory_space<hbm>> -> memref<8192xi32, #tpu.memory_space<hbm>>
      %dma_start3A_24 = tpu.memref_slice %arg2[%arg1, %mul3A_0] : memref<16x16384xi32, #tpu.memory_space<hbm>> -> memref<1x8192xi32, #tpu.memory_space<hbm>>
      %dma_start3A_25 = tpu.memref_squeeze %dma_start3A_24 : memref<1x8192xi32, #tpu.memory_space<hbm>> -> memref<8192xi32, #tpu.memory_space<hbm>>
      tpu.enqueue_dma source(%dma_start3A_25 : memref<8192xi32, #tpu.memory_space<hbm>>) target(%arg5 : memref<8192xi32, #tpu.memory_space<vmem>>) target_semaphore(%run_scoped3A : memref<!tpu.dma_semaphore, #tpu.memory_space<semaphore_mem>>)
      %dma_wait3A = tpu.memref_slice %arg2[%arg1, %mul3A_0] : memref<16x16384xi32, #tpu.memory_space<hbm>> -> memref<1x8192xi32, #tpu.memory_space<hbm>>
      %dma_wait3A_26 = tpu.memref_squeeze %dma_wait3A : memref<1x8192xi32, #tpu.memory_space<hbm>> -> memref<8192xi32, #tpu.memory_space<hbm>>
      %dma_wait3A_27 = tpu.memref_slice %arg2[%arg1, %mul3A_0] : memref<16x16384xi32, #tpu.memory_space<hbm>> -> memref<1x8192xi32, #tpu.memory_space<hbm>>
      %dma_wait3A_28 = tpu.memref_squeeze %dma_wait3A_27 : memref<1x8192xi32, #tpu.memory_space<hbm>> -> memref<8192xi32, #tpu.memory_space<hbm>>
      tpu.wait_dma2 semaphore(%run_scoped3A : memref<!tpu.dma_semaphore, #tpu.memory_space<semaphore_mem>>) src(%dma_wait3A_28 : memref<8192xi32, #tpu.memory_space<hbm>>) dst(%arg5 : memref<8192xi32, #tpu.memory_space<vmem>>)
      tpu.yield
    }) : () -> ()
    %scan3A = arith.constant 0 : i32
    %scan3A_3 = arith.constant 0 : i32
    %scan3A_4 = arith.constant 4 : i32
    %scan3A_5 = arith.addi %scan3A_3, %scan3A_4 : i32
    %scan3A_6 = arith.constant 1 : i32
    %scan3A_7 = scf.for %scan3A_23 = %scan3A_3 to %scan3A_5 step %scan3A_6 iter_args(%scan3A_24 = %scan3A) -> (i32)  : i32 {
      %broadcast_in_dim3A = arith.constant 1.000000e+00 : f32
      %broadcast_in_dim3A_25 = vector.broadcast %broadcast_in_dim3A : f32 to vector<16xf32>
      %mul3A_26 = arith.constant 16 : i32
      %mul3A_27 = arith.muli %scan3A_23, %mul3A_26 : i32
      %swap3A = arith.index_cast %mul3A_27 : i32 to index
      %swap3A_28 = tpu.vector_load %arg7[%swap3A] {strides = array<i32>} : memref<64xf32, #tpu.memory_space<vmem>>, vector<16xf32>,
      %swap3A_29 = vector.shape_cast %swap3A_28 : vector<16xf32> to vector<16xf32>
      %swap3A_30 = vector.shape_cast %broadcast_in_dim3A_25 : vector<16xf32> to vector<16xf32>
      tpu.vector_store %arg7[%swap3A], %swap3A_30 {strides = array<i32>} : memref<64xf32, #tpu.memory_space<vmem>>, vector<16xf32>,
      %scan3A_31 = arith.constant 0 : i32
      scf.yield %scan3A_31 : i32
    }
    %scan3A_8 = arith.constant 4 : i32
    %iota3A = tpu.iota {dimensions = array<i32: 0>} : vector<16xi32>
    %scan3A_9 = arith.constant 0 : i32
    %scan3A_10 = arith.constant 0 : i32
    %scan3A_11 = arith.constant 128 : i32
    %scan3A_12 = arith.addi %scan3A_10, %scan3A_11 : i32
    %scan3A_13 = arith.constant 1 : i32
    %scan3A_14 = scf.for %scan3A_23 = %scan3A_10 to %scan3A_12 step %scan3A_13 iter_args(%scan3A_24 = %scan3A_9) -> (i32)  : i32 {
      %scan3A_25 = arith.constant 0 : i32
      %scan3A_26 = arith.constant 0 : i32
      %scan3A_27 = arith.constant 4 : i32
      %scan3A_28 = arith.addi %scan3A_26, %scan3A_27 : i32
      %scan3A_29 = arith.constant 1 : i32
      %scan3A_30 = scf.for %scan3A_37 = %scan3A_26 to %scan3A_28 step %scan3A_29 iter_args(%scan3A_38 = %scan3A_25) -> (i32)  : i32 {
        %mul3A_39 = arith.constant 64 : i32
        %mul3A_40 = arith.muli %scan3A_23, %mul3A_39 : i32
        %add3A = arith.addi %mul3A_0, %mul3A_40 : i32
        %mul3A_41 = arith.constant 16 : i32
        %mul3A_42 = arith.muli %scan3A_37, %mul3A_41 : i32
        %add3A_43 = arith.addi %add3A, %mul3A_42 : i32
        %shift_right_arithmetic3A = arith.constant 7 : i32
        %shift_right_arithmetic3A_44 = arith.shrsi %add3A_43, %shift_right_arithmetic3A : i32
        %shift_left3A = arith.constant 10 : i32
        %shift_left3A_45 = arith.shli %shift_right_arithmetic3A_44, %shift_left3A : i32
        %add3A_46 = arith.addi %mul3A_2, %shift_left3A_45 : i32
        %and3A = arith.constant 127 : i32
        %and3A_47 = arith.andi %add3A_43, %and3A : i32
        %add3A_48 = arith.addi %add3A_46, %and3A_47 : i32
        %mul3A_49 = arith.constant 64 : i32
        %mul3A_50 = arith.muli %scan3A_23, %mul3A_49 : i32
        %mul3A_51 = arith.constant 16 : i32
        %mul3A_52 = arith.muli %scan3A_37, %mul3A_51 : i32
        %add3A_53 = arith.addi %mul3A_50, %mul3A_52 : i32
        %get3A = arith.index_cast %add3A_53 : i32 to index
        %get3A_54 = tpu.vector_load %arg5[%get3A] {strides = array<i32>} : memref<8192xi32, #tpu.memory_space<vmem>>, vector<16xi32>,
        %get3A_55 = vector.shape_cast %get3A_54 : vector<16xi32> to vector<16xi32>
        %shift_right_arithmetic3A_56 = arith.constant 3 : i32
        %shift_right_arithmetic3A_57 = vector.broadcast %shift_right_arithmetic3A_56 : i32 to vector<16xi32>
        %shift_right_arithmetic3A_58 = arith.shrsi %get3A_55, %shift_right_arithmetic3A_57 : vector<16xi32>
        %shift_left3A_59 = arith.constant 17 : i32
        %shift_left3A_60 = vector.broadcast %shift_left3A_59 : i32 to vector<16xi32>
        %shift_left3A_61 = arith.shli %shift_right_arithmetic3A_58, %shift_left3A_60 : vector<16xi32>
        %and3A_62 = arith.constant 7 : i32
        %and3A_63 = vector.broadcast %and3A_62 : i32 to vector<16xi32>
        %and3A_64 = arith.andi %get3A_55, %and3A_63 : vector<16xi32>
        %shift_left3A_65 = arith.constant 7 : i32
        %shift_left3A_66 = vector.broadcast %shift_left3A_65 : i32 to vector<16xi32>
        %shift_left3A_67 = arith.shli %and3A_64, %shift_left3A_66 : vector<16xi32>
        %add3A_68 = arith.addi %shift_left3A_61, %shift_left3A_67 : vector<16xi32>
        %add3A_69 = vector.broadcast %add3A_48 : i32 to vector<16xi32>
        %add3A_70 = arith.addi %add3A_68, %add3A_69 : vector<16xi32>
        %add3A_71 = arith.addi %add3A_70, %iota3A : vector<16xi32>
        %mul3A_72 = arith.constant 16 : i32
        %mul3A_73 = arith.muli %scan3A_37, %mul3A_72 : i32
        %swap3A = arith.index_cast %scan3A_23 : i32 to index
        %swap3A_74 = arith.index_cast %mul3A_73 : i32 to index
        %swap3A_75 = tpu.vector_load %arg6[%swap3A, %swap3A_74] {strides = array<i32>} : memref<128x64xi32, #tpu.memory_space<vmem>>, vector<1x16xi32>,
        %swap3A_76 = vector.shape_cast %swap3A_75 : vector<1x16xi32> to vector<16xi32>
        %swap3A_77 = vector.shape_cast %add3A_71 : vector<16xi32> to vector<1x16xi32>
        tpu.vector_store %arg6[%swap3A, %swap3A_74], %swap3A_77 {strides = array<i32>} : memref<128x64xi32, #tpu.memory_space<vmem>>, vector<1x16xi32>,
        %scan3A_78 = arith.constant 0 : i32
        scf.yield %scan3A_78 : i32
      }
      %scan3A_31 = arith.constant 4 : i32
      %dma_start3A = arith.constant 0 : i32
      %dma_start3A_32 = tpu.memref_slice %arg6[%scan3A_23, %dma_start3A] : memref<128x64xi32, #tpu.memory_space<vmem>> -> memref<1x64xi32, #tpu.memory_space<vmem>>
      %dma_start3A_33 = tpu.memref_squeeze %dma_start3A_32 : memref<1x64xi32, #tpu.memory_space<vmem>> -> memref<64xi32, #tpu.memory_space<vmem>>
      %dma_start3A_34 = arith.constant 0 : i32
      %dma_start3A_35 = tpu.memref_slice %arg3[%dma_start3A_34] : memref<67108864xf32, #tpu.memory_space<hbm>> -> memref<67108864xf32, #tpu.memory_space<hbm>>
      tpu.enqueue_indirect_dma source(%arg7 : memref<64xf32, #tpu.memory_space<vmem>>) target(%dma_start3A_35 : memref<67108864xf32, #tpu.memory_space<hbm>>) offsets(%dma_start3A_33 : memref<64xi32, #tpu.memory_space<vmem>>) semaphore(%arg8 : memref<!tpu.dma_semaphore, #tpu.memory_space<semaphore_mem>>)
      %scan3A_36 = arith.constant 0 : i32
      scf.yield %scan3A_36 : i32
    }
    %scan3A_15 = arith.constant 128 : i32
    %scan3A_16 = arith.constant 0 : i32
    %scan3A_17 = arith.constant 0 : i32
    %scan3A_18 = arith.constant 128 : i32
    %scan3A_19 = arith.addi %scan3A_17, %scan3A_18 : i32
    %scan3A_20 = arith.constant 1 : i32
    %scan3A_21 = scf.for %scan3A_23 = %scan3A_17 to %scan3A_19 step %scan3A_20 iter_args(%scan3A_24 = %scan3A_16) -> (i32)  : i32 {
      %dma_wait3A = arith.constant 0 : i32
      %dma_wait3A_25 = arith.constant 0 : i32
      %dma_wait3A_26 = tpu.memref_slice %arg6[%dma_wait3A, %dma_wait3A_25] : memref<128x64xi32, #tpu.memory_space<vmem>> -> memref<1x64xi32, #tpu.memory_space<vmem>>
      %dma_wait3A_27 = tpu.memref_squeeze %dma_wait3A_26 : memref<1x64xi32, #tpu.memory_space<vmem>> -> memref<64xi32, #tpu.memory_space<vmem>>
      %dma_wait3A_28 = arith.constant 0 : i32
      %dma_wait3A_29 = tpu.memref_slice %arg3[%dma_wait3A_28] : memref<67108864xf32, #tpu.memory_space<hbm>> -> memref<67108864xf32, #tpu.memory_space<hbm>>
      tpu.wait_indirect_dma semaphore(%arg8 : memref<!tpu.dma_semaphore, #tpu.memory_space<semaphore_mem>>) src(%arg7 : memref<64xf32, #tpu.memory_space<vmem>>) dst(%dma_wait3A_29 : memref<67108864xf32, #tpu.memory_space<hbm>>)
      %scan3A_30 = arith.constant 0 : i32
      scf.yield %scan3A_30 : i32
    }
    %scan3A_22 = arith.constant 128 : i32
    return
  }
}

module attributes {stable_mosaic.version = 14 : i64} {
  func.func @_zero_body(%arg0: i32, %arg1: memref<1048576xf32, #tpu.memory_space<vmem>>) attributes {dimension_semantics = [#tpu.dimension_semantics<arbitrary>], iteration_bounds = array<i64: 64>, scalar_prefetch = 0 : i64, scratch_operands = 0 : i64, tpu.core_type = #tpu.core_type<tc>, window_params = [{transform_indices = @transform_0, window_bounds = array<i64: 1048576>}]} {
    %broadcast_in_dim3A = arith.constant 0.000000e+00 : f32
    %broadcast_in_dim3A_0 = vector.broadcast %broadcast_in_dim3A : f32 to vector<1048576xf32>
    %swap3A = arith.constant 0 : index
    %swap3A_1 = vector.load %arg1[%swap3A] : memref<1048576xf32, #tpu.memory_space<vmem>>, vector<1048576xf32>
    tpu.vector_store %arg1[%swap3A], %broadcast_in_dim3A_0 {strides = array<i32>} : memref<1048576xf32, #tpu.memory_space<vmem>>, vector<1048576xf32>,
    return
  }
  func.func @transform_0(%arg0: i32) -> i32 {
    %c0_i32 = arith.constant 0 : i32
    return %arg0 : i32
  }
}

</mosaic_0001>

<sc_bundles>
// kernel: kernel.4.cloned.1.call-start
scs
__scs_entry_jumppad:
0x0: {  	(pc) =	sbr.rel $0x88, $3  }
0x1: {  	(tag) =	ssettag $0x0;
	lr =	simm.s32 $0x1  }
0x2: {  	[smem:$0x3FA0] =	sst lr;
	_ =	strace $0xD0000000  }
0x3: {  	_ = 	snop  }
0x4: {  	_ = 	snop  }
0x5: {  	_ = 	snop  }
0x6: {  	_ = 	snop  }
0x7: {  	_ = 	snop  }
__scs_overlays_trampoline_lowered:
0x8: {  	[smem:$0x3FAF] =	sst s0  }
0x9: {  	[smem:$0x3FB0] =	sst s1  }
0xa: {  	[smem:$0x3FB1] =	sst s2  }
0xb: {  	[smem:$0x3FB2] =	sst s3  }
0xc: {  	[smem:$0x3FB3] =	sst s4  }
0xd: {  	[smem:$0x3FB4] =	sst s5  }
0xe: {  	[smem:$0x3FB5] =	sst s6  }
0xf: {  	[smem:$0x3FB6] =	sst s7  }
0x10: {  	[smem:$0x3FB7] =	sst s8  }
0x11: {  	[smem:$0x3FB8] =	sst s9;
	s0 =	simm.s32 @!p0 $0x0  }
0x12: {  	s1 =	sld [smem:$0x3F9E];
	s0 =	simm.s32 @p0 $0x1  }
0x13: {  	[smem:$0x3FB9] =	sst s0;
	s0 =	simm.s32 @!p1 $0x0  }
0x14: {  	s2 =	sld [smem:$0x3F9D];
	s0 =	simm.s32 @p1 $0x1  }
0x15: {  	[smem:$0x3FBA] =	sst s0;
	s0 =	simm.s32 @!p2 $0x0  }
0x16: {  	s3 =	sld [smem:$0x3FDB];
	s0 =	simm.s32 @p2 $0x1  }
0x17: {  	s4 =	simm.s32 $0x1BF5;
	[smem:$0x3FBC] =	sst s0  }
0x18: {  	s0 =	sld [smem:$0x3F9F];
	_ =	swait.ge [sflag:s4], $0x0  }
0x19: {  	s7 =	sld [smem:$0x3FA0]  }
0x1a: {  	s8 =	sadd.s32 $0xFFFFE003, lr  }
0x1b: {  	s9 =	sadd.s32 $0xFFFFFEF7, lr;
	s5 =	simm.s32 $0xFFFFFFFF;
	p2 =	slt.u32 s8, $0xFFFFF086  }
0x1c: {  	p1 =	slt.u32 s9, $0xF7A;
	s5 =	simm.s32 @!p2 $0x0  }
0x1d: {  	s5 =	simm.s32 @p1 $0x1;
	p0 =	seq.s32 s7, s2  }
0x1e: {  	s7 =	smul.u32 @!p0 $0xF7A, s2;
	p2 =	seq.s32 @!p0 s5, $0x0  }
0x1f: {  	s9 =	smul.u32 $0xF7A, s1;
	s8 =	simm.s32 @!p0 $0x1BF5;
	p2 =	por !p2, p0  }
0x20: {  	[sflag:s8] =	ssyncset.s32 @!p0 $0xFFFFF086;
	s6 =	sadd.s32 @!p0 s3, s7;
	s7 =	simm.s32 @!p0 $0x108  }
0x21: {  	s3 =	sadd.s32 s3, s9;
	s6 =	sadd.s32 @!p0 $0x88, s6;
	s7 =	simm.s32 @p2 $0x1082  }
0x22: {  	[simem:s7], [sflag:s8] =	dma.local @!p0 [hbm:s6], $0xF7A  }
0x23: {  	s9 =	sor.u32 $0xD0000000, s2;
	s6 =	simm.s32 $0x108;
	_ =	swait.ge @!p0 [sflag:s8], $0x0  }
0x24: {  	s3 =	sadd.s32 $0x88, s3;
	s6 =	simm.s32 @!p1 $0x1082;
	[sflag:s4] =	ssyncset.s32 $0xFFFFF086  }
0x25: {  	[simem:s6], [sflag:s4] =	dma.local [hbm:s3], $0xF7A  }
0x26: {  	[smem:$0x3FA0] =	sst s1;
	(tag) =	ssettag s2;
	_ =	strace s9  }
0x27: {  	s1 =	sld [smem:$0x3FB0]  }
0x28: {  	s2 =	sld [smem:$0x3FB1]  }
0x29: {  	s4 =	sld [smem:$0x3FB3]  }
0x2a: {  	p0 =	seq.s32 s5, $0x0;
	s5 =	sld [smem:$0x3FB4]  }
0x2b: {  	s6 =	sld [smem:$0x3FB5]  }
0x2c: {  	s7 =	sld [smem:$0x3FB6]  }
0x2d: {  	s3 =	simm.s32 $0x108;
	s8 =	sld [smem:$0x3FB7]  }
0x2e: {  	s3 =	simm.s32 @!p0 $0x1082;
	s9 =	sld [smem:$0x3FB8]  }
0x2f: {  	lr =	sadd.s32 s0, s3;
	s0 =	sld [smem:$0x3FAF]  }
0x30: {  	s3 =	sld [smem:$0x3FB2]  }
0x31: {  	[smem:$0x3FBB] =	sst s10  }
0x32: {  	s10 =	sld [smem:$0x3FB9];
	_ =	sdelay $0x3  }
0x33: {  	p0 =	seq.s32 s10, $0x1;
	s10 =	sld [smem:$0x3FBB];
	_ =	sdelay $0x3  }
0x34: {  	[smem:$0x3FBB] =	sst s10  }
0x35: {  	s10 =	sld [smem:$0x3FBA];
	_ =	sdelay $0x3  }
0x36: {  	p1 =	seq.s32 s10, $0x1;
	s10 =	sld [smem:$0x3FBB];
	_ =	sdelay $0x3  }
0x37: {  	[smem:$0x3FBB] =	sst s10  }
0x38: {  	s10 =	sld [smem:$0x3FBC]  }
0x39: {  	_ = 	snop;
	(pc) =	sbr.ind lr, $3  }
0x3a: {  	_ = 	snop  }
0x3b: {  	_ = 	snop  }
0x3c: {  	p2 =	seq.s32 s10, $0x1;
	s10 =	sld [smem:$0x3FBB]  }
0x3d: {  	_ =	shalt  }
0x3e: {  	_ =	shalt  }
0x3f: {  	_ =	shalt  }
0x40: {  	_ =	shalt  }
0x41: {  	_ =	shalt  }
0x42: {  	_ =	shalt  }
0x43: {  	_ =	shalt  }
0x44: {  	_ =	shalt  }
0x45: {  	_ =	shalt  }
0x46: {  	_ =	shalt  }
0x47: {  	_ =	shalt  }
0x48: {  	_ =	shalt  }
0x49: {  	_ =	shalt  }
0x4a: {  	_ =	shalt  }
0x4b: {  	_ =	shalt  }
0x4c: {  	_ =	shalt  }
0x4d: {  	_ =	shalt  }
0x4e: {  	_ =	shalt  }
0x4f: {  	_ =	shalt  }
0x50: {  	_ =	shalt  }
0x51: {  	_ =	shalt  }
0x52: {  	_ =	shalt  }
0x53: {  	_ =	shalt  }
0x54: {  	_ =	shalt  }
0x55: {  	_ =	shalt  }
0x56: {  	_ =	shalt  }
0x57: {  	_ =	shalt  }
0x58: {  	_ =	shalt  }
0x59: {  	_ =	shalt  }
0x5a: {  	_ =	shalt  }
0x5b: {  	_ =	shalt  }
0x5c: {  	_ =	shalt  }
0x5d: {  	_ =	shalt  }
0x5e: {  	_ =	shalt  }
0x5f: {  	_ =	shalt  }
0x60: {  	_ =	shalt  }
0x61: {  	_ =	shalt  }
0x62: {  	_ =	shalt  }
0x63: {  	_ =	shalt  }
0x64: {  	_ =	shalt  }
0x65: {  	_ =	shalt  }
0x66: {  	_ =	shalt  }
0x67: {  	_ =	shalt  }
0x68: {  	_ =	shalt  }
0x69: {  	_ =	shalt  }
0x6a: {  	_ =	shalt  }
0x6b: {  	_ =	shalt  }
0x6c: {  	_ =	shalt  }
0x6d: {  	_ =	shalt  }
0x6e: {  	_ =	shalt  }
0x6f: {  	_ =	shalt  }
0x70: {  	_ =	shalt  }
0x71: {  	_ =	shalt  }
0x72: {  	_ =	shalt  }
0x73: {  	_ =	shalt  }
0x74: {  	_ =	shalt  }
0x75: {  	_ =	shalt  }
0x76: {  	_ =	shalt  }
0x77: {  	_ =	shalt  }
0x78: {  	_ =	shalt  }
0x79: {  	_ =	shalt  }
0x7a: {  	_ =	shalt  }
0x7b: {  	_ =	shalt  }
0x7c: {  	_ =	shalt  }
0x7d: {  	_ =	shalt  }
0x7e: {  	_ =	shalt  }
0x7f: {  	_ =	shalt  }
0x80: {  	_ =	shalt  }
0x81: {  	_ =	shalt  }
0x82: {  	_ =	shalt  }
0x83: {  	_ =	shalt  }
0x84: {  	_ =	shalt  }
0x85: {  	_ =	shalt  }
0x86: {  	_ =	shalt  }
0x87: {  	_ =	shalt  }
.Lfunc_end0:
.L_simem_size_0:
called_computation_lowered:
.L_overlay_start_0:
0x88: {  	s2 =	sld [smem:$0x3FD9]  }
0x89: {  	s3 =	sld [smem:$0x3FFE];
	_ =	sdelay $0x1  }
0x8a: {  	s1 =	srdreg.scid  }
0x8b: {  	s0 =	sand.u32 $0x1, s1  }
0x8c: {  	s18 =	sshll.u32 s0, $0xA;
	s2 =	sadd.s32 s3, s2  }
0x8d: {  	s2 =	sadd.s32 s2, s18  }
0x8e: {  	[smem:$0x3FC7] =	sst s2  }
0x8f: {  	_ = 	snop  }
0x90: {  	s2 =	sld [smem:$0x3FC9]  }
0x91: {  	s19 =	sld [smem:$0x3FD0];
	(tm) =	ssettm $0x1  }
0x92: {  	s4 =	sld [smem:$0x3FFB];
	_ =	sdelay $0x3  }
0x93: {  	_ =	strace s4  }
0x94: {  	s4 =	sld [smem:$0x3FFC];
	_ =	sdelay $0x3  }
0x95: {  	_ =	strace s4  }
0x96: {  	s4 =	sld [smem:$0x3FFD];
	_ =	sdelay $0x3  }
0x97: {  	_ =	strace s4  }
0x98: {  	_ =	strace $0x8FFFFFFF  }
0x99: {  	s20 =	sld [smem:$0x3FDB];
	_ =	sdelay $0x1  }
0x9a: {  	s5 =	simm.s32 $_scs_section_size  }
0x9b: {  	s6 =	simm.s32 $_size__tile_overlayer_lowered;
	s7 =	simm.s32 $_tile_overlayer_lowered  }
0x9c: {  	s23 =	simm.s32 $0x1BFF;
	s22 =	sshll.u32 s7, $0x1;
	s4 =	sadd.s32 s5, s20  }
0x9d: {  	s8 =	simm.s32 $0x0;
	s21 =	sshll.u32 s6, $0x1;
	s6 =	sadd.s32 s22, s4  }
0x9e: {  	[timem:s8], [sflag:s23] =	dma.local [hbm:s6], s21  }
0x9f: {  	_ =	swait.ge [sflag:s23], s21  }
0xa0: {  	s5 =	ssub.s32 $0x0, s21;
	[sflag:s23] =	ssyncset.done $0x0  }
0xa1: {  	[sflag:s23] =	ssyncadd.s32 s5;
	_ =	sdelay $0x1  }
0xa2: {  	s24 =	simm.s32 $0x1B8B  }
0xa3: {  	_ =	swait.ge [sflag:s24], $0x1  }
0xa4: {  	[sflag:s24] =	ssyncset.done $0x0  }
0xa5: {  	s25 =	simm.s32 $0x1B8E;
	[sflag:s24] =	ssyncadd.s32 $0xFFFFFFFF  }
0xa6: {  	s26 =	simm.s32 $execute0_lowered;
	[smem:$0x3FD2] =	sst s25  }
0xa7: {  	s5 =	sshll.u32 s26, $0x1;
	_ =	strace $0x80000046;
	[dreg:$0x1] =	wrdreg $0xFFFFFFFF  }
0xa8: {  	s28 =	simm.s32 $_size_execute0_lowered;
	s4 =	sadd.s32 s4, s5;
	[dreg:$0x0] =	wrdreg $0x0  }
0xa9: {  	s5 =	sshll.u32 s28, $0x1;
	[dreg:$0x2] =	wrdreg s4  }
0xaa: {  	[dreg:$0x3] =	wrdreg s5  }
0xab: {  	[dreg:$0x4] =	wrdreg $0xC0  }
0xac: {  	_ =	task [dreg:s8], $0x5FFFF  }
0xad: {  	[dreg:$0x1] =	wrdreg $0xFFFFFFFF  }
0xae: {  	[dreg:$0x0] =	wrdreg $0x60  }
0xaf: {  	[dreg:$0x2] =	wrdreg s2  }
0xb0: {  	[dreg:$0x3] =	wrdreg s19  }
0xb1: {  	[dreg:$0x4] =	wrdreg $0x9  }
0xb2: {  	_ =	task.clear_ibuf [dreg:s8], $0x5FFFF;
	_ =	strace $0x90000046  }
0xb3: {  	s29 =	simm.s32 $0x9;
	_ =	strace $0x80000048  }
0xb4: {  	_ =	swait.ge [sflag:s29], $0x1  }
0xb5: {  	[sflag:s29] =	ssyncadd.s32 $0xFFFFFFFF  }
0xb6: {  	_ =	strace $0x90000048  }
0xb7: {  	_ =	sfence  }
0xb8: {  	s30 =	sld [smem:$0x0];
	_ =	sdelay $0x2  }
0xb9: {  	s31 =	sshll.u32 s1, $0xD;
	s1 =	sshrl.u32 s1, $0x2  }
0xba: {  	s3 =	sand.u32 $0x4000, s31;
	s1 =	sadd.s32 s1, s30  }
0xbb: {  	s0 =	sor.u32 s3, s0;
	s1 =	sshll.u32 s1, $0x11  }
0xbc: {  	s0 =	sor.u32 s1, s0  }
0xbd: {  	s0 =	sadd.s32 $0x8F2B, s0  }
0xbe: {  	[sflag:s0] =	ssyncadd.remote.s32 $0x1  }
0xbf: {  	_ =	sfence.sel $0xFFFF  }
0xc0: {  	[dreg:$0x0] =	wrdreg $0xFFFFFFFF;
	(pc) =	sbr.abs _section_cstart, $3  }
0xc1: {  	[dreg:$0x1] =	wrdreg $0xFFFFFFFF  }
0xc2: {  	_ =	task.clear_ibuf [dreg:s8], $0x2FFFF;
	_ =	strace $0x9FFFFFFF  }
0xc3: {  	(tm) =	ssettm $0x7FFFFFFF  }
tec
execute0_lowered:
.L_overlay_start_1:
0x0: {  	(tag) =	ssettag $0x1  }
0x1: {  	s6 =	rddreg [dreg:$0x0]  }
0x2: {  	s2 =	rddreg [dreg:$0x1]  }
0x3: {  	s0 =	rddreg [dreg:$0x2];
	s3 =	simm.s32 $0x0;
	s1 =	stileid.u32  }
0x4: {  	s4 =	srdreg.scid;
	s10 =	simm.s32 $0x2;
	s11 =	simm.s32 $0x40  }
0x5: {  	s12 =	simm.s32 $0x6000;
	s13 =	simm.s32 $0x1;
	s14 =	simm.s32 $0x0  }
0x6: {  	s5 =	sshll.u32 s1, $0xE;
	s7 =	sshll.u32 s1, $0x7;
	s4 =	sand.u32 $0x1, s4  }
0x7: {  	[smem:$0x7FF] =	sst s3;
	s5 =	sor.u32 s5, s7;
	s30 =	ssub.s32 $0x2, s4  }
0x8: {  	s4 =	sshll.u32 s4, $0x10;
	s5 =	sand.u32 $0x20380, s5;
	s8 =	sshrl.u32 s30, $0x1  }
0x9: {  	_ =	strace $0x80000047;
	s9 =	sor.u32 s4, s5;
	s7 =	ssub.s32 s30, s8  }
0xa: {  	s5 =	sshll.u32 s1, $0x16;
	s8 =	simm.s32 $0x80;
	s31 =	sshrl.u32 s9, $0x3  }
0xb: {  	v0 =	vimm.f32 $1.000000000e+00;
	v1 =	vlaneseq.u32;
	s7 =	smax.u32 s7, $0x1;
	s9 =	simm.s32 $0x400;
	s6 =	sadd.s32 s6, s31  }
.LBB2_1:
0xc: {  	[tilespmem:s3], [sflag:$0x2] =	stream.strided.gather [hbm4b:s6+s8], $0x2000, s9, s8, $0x38;
	[tilespmem:$0x6080] =	vst v63  }
0xd: {  	_ =	swait.ge [sflag:s10], $0x2000  }
0xe: {  	[sflag:s10] =	ssyncset.done $0x0  }
0xf: {  	[sflag:s10] =	ssyncadd.s32 $0xFFFFE000  }
0x10: {  	[tilespmem:$0x6000] =	vst v0  }
0x11: {  	[tilespmem:$0x6010] =	vst v0  }
0x12: {  	[tilespmem:$0x6020] =	vst v0  }
0x13: {  	s15 =	simm.s32 $0x20;
	[tilespmem:$0x6030] =	vst v0  }
0x14: {  	v2 =	vld [tilespmem:s15+$0xFFFFFFE0];
	_ =	sdelay $0x2  }
0x15: {  	s16 =	sand.u32 $0xFC00, s3  }
0x16: {  	s17 =	sand.u32 $0x40, s3;
	s16 =	sor.u32 s16, s5  }
0x17: {  	s16 =	sor.u32 s17, s16;
	v3 =	vshll.u32 v2, $0x7  }
0x18: {  	s16 =	sor.u32 s4, s16;
	v3 =	vand.u32 $0x380, v3  }
0x19: {  	v2 =	vshll.u32 v2, $0xE;
	v3 =	vor.u32 s16, v3  }
0x1a: {  	v2 =	vand.u32 $0xFFFE0000, v2;
	v3 =	vor.u32 v1, v3  }
0x1b: {  	s29 =	simm.s32 $0x0;
	v2 =	vadd.s32 v2, v3  }
0x1c: {  	[tilespmem:s29+$0x2000] =	vst v2  }
0x1d: {  	v2 =	vld [tilespmem:s15+$0xFFFFFFF0];
	_ =	sdelay $0x4  }
0x1e: {  	v3 =	vshll.u32 v2, $0x7  }
0x1f: {  	s18 =	sor.u32 $0x10, s16;
	v2 =	vshll.u32 v2, $0xE;
	v3 =	vand.u32 $0x380, v3  }
0x20: {  	v2 =	vand.u32 $0xFFFE0000, v2;
	v3 =	vadd.s32 s18, v3  }
0x21: {  	v2 =	vadd.s32 v2, v3  }
0x22: {  	v2 =	vadd.s32 v1, v2  }
0x23: {  	[tilespmem:s29+$0x2010] =	vst v2  }
0x24: {  	v2 =	vld [tilespmem:s15+$0x0];
	_ =	sdelay $0x4  }
0x25: {  	v3 =	vshll.u32 v2, $0x7  }
0x26: {  	s30 =	sor.u32 $0x20, s16;
	v2 =	vshll.u32 v2, $0xE;
	v3 =	vand.u32 $0x380, v3  }
0x27: {  	v2 =	vand.u32 $0xFFFE0000, v2;
	v3 =	vadd.s32 s30, v3  }
0x28: {  	v2 =	vadd.s32 v2, v3  }
0x29: {  	v2 =	vadd.s32 v1, v2  }
0x2a: {  	[tilespmem:s29+$0x2020] =	vst v2  }
0x2b: {  	v2 =	vld [tilespmem:s15+$0x10];
	_ =	sdelay $0x4  }
0x2c: {  	v3 =	vshll.u32 v2, $0x7  }
0x2d: {  	s31 =	sor.u32 $0x30, s16;
	v2 =	vshll.u32 v2, $0xE;
	v3 =	vand.u32 $0x380, v3  }
0x2e: {  	v2 =	vand.u32 $0xFFFE0000, v2;
	v3 =	vadd.s32 s31, v3  }
0x2f: {  	v2 =	vadd.s32 v2, v3  }
0x30: {  	s19 =	simm.s32 $0x2000;
	v2 =	vadd.s32 v1, v2  }
0x31: {  	s17 =	simm.s32 $0x60;
	s16 =	simm.s32 $0x40;
	s15 =	simm.s32 $0x200;
	[tilespmem:s29+$0x2030] =	vst v2  }
.LBB2_2:
0x32: {  	[hbm4b:s2+s11] =	stream.indirect.scatter [tilespmem:s12], [sflag:$0x1], $0x1, s19, s11, $0xb8;
	[tilespmem:$0x6080] =	vst v63  }
0x33: {  	p0 =	sne.s32 s15, $0xFE00;
	s18 =	smov.u32 s15;
	s15 =	sadd.s32 $0x200, s15;
	v2 =	vld [tilespmem:s17+$0xFFFFFFE0]  }
0x34: {  	_ =	sdelay $0x1  }
0x35: {  	s19 =	sand.u32 $0xFC00, s18  }
0x36: {  	s20 =	sand.u32 $0x40, s16;
	s19 =	sor.u32 s19, s5  }
0x37: {  	s19 =	sor.u32 s20, s19;
	v3 =	vshll.u32 v2, $0xE;
	v2 =	vshll.u32 v2, $0x7  }
0x38: {  	s19 =	sor.u32 s4, s19;
	v2 =	vand.u32 $0x380, v2  }
0x39: {  	v2 =	vor.u32 s19, v2  }
0x3a: {  	v3 =	vand.u32 $0xFFFE0000, v3;
	v2 =	vor.u32 v1, v2  }
0x3b: {  	s18 =	sshra.s32 s18, $0x2;
	v2 =	vadd.s32 v3, v2  }
0x3c: {  	[tilespmem:s18+$0x2000] =	vst v2  }
0x3d: {  	v2 =	vld [tilespmem:s17+$0xFFFFFFF0];
	_ =	sdelay $0x4  }
0x3e: {  	v3 =	vshll.u32 v2, $0xE;
	v2 =	vshll.u32 v2, $0x7  }
0x3f: {  	s20 =	sor.u32 $0x10, s19;
	v2 =	vand.u32 $0x380, v2  }
0x40: {  	v3 =	vand.u32 $0xFFFE0000, v3;
	v2 =	vadd.s32 s20, v2  }
0x41: {  	v2 =	vadd.s32 v3, v2  }
0x42: {  	v2 =	vadd.s32 v1, v2  }
0x43: {  	[tilespmem:s18+$0x2010] =	vst v2  }
0x44: {  	v2 =	vld [tilespmem:s17+$0x0];
	_ =	sdelay $0x4  }
0x45: {  	v3 =	vshll.u32 v2, $0xE;
	v2 =	vshll.u32 v2, $0x7  }
0x46: {  	s20 =	sor.u32 $0x20, s19;
	v2 =	vand.u32 $0x380, v2  }
0x47: {  	v3 =	vand.u32 $0xFFFE0000, v3;
	v2 =	vadd.s32 s20, v2  }
0x48: {  	v2 =	vadd.s32 v3, v2  }
0x49: {  	v2 =	vadd.s32 v1, v2  }
0x4a: {  	[tilespmem:s18+$0x2020] =	vst v2  }
0x4b: {  	v2 =	vld [tilespmem:s17+$0x10];
	_ =	sdelay $0x4  }
0x4c: {  	v3 =	vshll.u32 v2, $0xE;
	v2 =	vshll.u32 v2, $0x7  }
.Ltmp0:
0x4d: {  	s19 =	sor.u32 $0x30, s19;
	v2 =	vand.u32 $0x380, v2;
	(pc) =	sbr.rel @p0 .LBB2_2-.Ltmp0, $4  }
0x4e: {  	v3 =	vand.u32 $0xFFFE0000, v3;
	v2 =	vadd.s32 s19, v2  }
0x4f: {  	v2 =	vadd.s32 v3, v2  }
0x50: {  	v2 =	vadd.s32 v1, v2  }
0x51: {  	s16 =	sadd.s32 $0x40, s16;
	s17 =	sadd.s32 $0x40, s17;
	s19 =	sadd.s32 $0x2000, s18;
	[tilespmem:s18+$0x2030] =	vst v2  }
0x52: {  	[hbm4b:s2+s11] =	stream.indirect.scatter [tilespmem:s12], [sflag:$0x1], $0x1, s19, s11, $0xb8;
	[tilespmem:$0x6080] =	vst v63  }
0x53: {  	_ =	swait.ge [sflag:s13], $0x40  }
0x54: {  	s15 =	simm.s32 $0x7F;
	[sflag:s13] =	ssyncset.done $0x0  }
.LBB2_4:
0x55: {  	p0 =	sne.s32 s15, $0x1;
	s15 =	sadd.s32 $0xFFFFFFFF, s15;
	[sflag:s13] =	ssyncadd.s32 $0xFFFFFFC0  }
.Ltmp1:
0x56: {  	(pc) =	sbr.rel @p0 .LBB2_4-.Ltmp1, $3  }
0x57: {  	_ =	sdelay $0x1  }
0x58: {  	_ =	swait.ge [sflag:s13], $0x40  }
0x59: {  	[sflag:s13] =	ssyncset.done $0x0  }
0x5a: {  	s14 =	sadd.s32 $0x1, s14  }
0x5b: {  	p0 =	sne.s32 s14, s7  }
.Ltmp2:
0x5c: {  	_ = 	snop;
	(pc) =	sbr.rel @p0 .LBB2_1-.Ltmp2, $2  }
0x5d: {  	_ =	sdelay $0x2  }
0x5e: {  	[sflag:s13] =	ssyncadd.s32 $0xFFFFFFC0  }
0x5f: {  	_ =	sfence.sel $0x180000  }
0x60: {  	[bflag:$0x0] =	sbarrier.arrive $0xFFFF  }
0x61: {  	p0 =	sne.s32 s1, $0x0;
	_ =	strace $0x90000047  }
0x62: {  	s0 =	sadd.s32 @!p0 $0x100000, s0;
	[bflag:$0x2] =	sbarrier.arrive $0xFFFF  }
0x63: {  	[sflag:s0] =	ssyncadd.tile.s32 @!p0 $0x1;
	_ =	shalt  }
.Lfunc_end2:
_tile_overlayer_lowered:
.L_overlay_start_2:
0x64: {  	(tag) =	ssettag $0x2  }
0x65: {  	s0 =	rddreg [dreg:$0x0];
	s2 =	stileid.u32  }
0x66: {  	s1 =	rddreg [dreg:$0x1];
	p0 =	sne.s32 s2, $0x0  }
0x67: {  	s3 =	rddreg [dreg:$0x2];
	[bflag:$0x3] =	sbarrier.arrive $0xFFFF;
	s2 =	simm.s32 @!p0 $0x1C02  }
0x68: {  	[timem:s3], [sflag:s2] =	dma.local @!p0 [hbm:s0], s1  }
0x69: {  	s0 =	simm.s32 @!p0 $0x2  }
0x6a: {  	_ =	swait.ge @!p0 [sflag:s0], s1  }
0x6b: {  	s1 =	ssub.s32 @!p0 $0x0, s1;
	[sflag:s0] =	ssyncset.done @!p0 $0x0  }
0x6c: {  	[sflag:s0] =	ssyncadd.s32 @!p0 s1  }
0x6d: {  	[bflag:$0x3] =	sbarrier.arrive $0xFFFF  }
0x6e: {  	_ =	shalt  }

</sc_bundles>
